<compile_context>
chip_gen: v7x
topology: tpu7x:2x2x1
jax: 0.10.2.dev20260603
libtpu: 0.0.44.dev20260713+nightly
codegen_flags: <defaults>
</compile_context>

<pallas_src>
import functools

import jax
import jax.numpy as jnp
from jax import lax
from jax.experimental import pallas as pl
from jax.experimental.pallas import tpu as pltpu
from jax.experimental.pallas import tpu_sc as plsc

N = 10000
NP = 10240
NC, NS = 2, 16
NW = NC * NS
BN = 1280


_CFG = {128: (128, 80, 20), 80: (392, 26, 13), 40: (1000, 10, 10),
        32: (1000, 10, 10), 8: (5000, 2, 2)}


@functools.partial(jax.jit, static_argnums=(4, 5, 6))
def _sc_propagate(y, srcr, dstr, zeros, T, QB, constant_rows=False):
    F = y.shape[1]
    BCH = srcr.shape[2]
    rows_per_tile = NP // NS
    NB = 1 if constant_rows else 2
    mesh = plsc.VectorSubcoreMesh(core_axis_name="c", subcore_axis_name="s")

    def body(y_hbm, srcr_hbm, dstr_hbm, zeros_hbm, out_hbm,
             src_v, dst_v, rows, sems, acc):
        c = lax.axis_index("c")
        s = lax.axis_index("s")
        wid = s * NC + c
        row0 = s * rows_per_tile
        pltpu.sync_copy(zeros_hbm.at[pl.ds(row0, rows_per_tile)],
                        acc.at[pl.ds(row0, rows_per_tile)])
        if constant_rows:
            pltpu.sync_copy(y_hbm.at[pl.ds(0, BCH)], rows.at[0])
        plsc.subcore_barrier()

        def outer(q, carry):
            if not constant_rows:
                pltpu.sync_copy(srcr_hbm.at[wid, pl.ds(q * QB, QB)], src_v)
            pltpu.sync_copy(dstr_hbm.at[wid, pl.ds(q * QB, QB)], dst_v)
            if constant_rows:
                for k in range(QB):
                    pltpu.sync_copy(rows.at[0], acc.at[dst_v.at[k]],
                                    add=True)
                return carry
            for b in range(NB - 1):
                pltpu.async_copy(y_hbm.at[src_v.at[b]], rows.at[b],
                                 sems.at[b])
            for k in range(QB):
                b = k % NB
                nxt = k + NB - 1
                if nxt < QB:
                    bi = nxt % NB
                    pltpu.async_copy(y_hbm.at[src_v.at[nxt]], rows.at[bi],
                                     sems.at[bi])
                pltpu.make_async_copy(y_hbm.at[pl.ds(0, BCH)], rows.at[b],
                                      sems.at[b]).wait()
                pltpu.sync_copy(rows.at[b], acc.at[dst_v.at[k]], add=True)
            return carry

        lax.fori_loop(0, T // QB, outer, 0, unroll=False)
        plsc.subcore_barrier()
        pltpu.sync_copy(acc.at[pl.ds(row0, rows_per_tile)],
                        out_hbm.at[c, pl.ds(row0, rows_per_tile)])

    scratch = [
        pltpu.VMEM((QB, BCH), jnp.int32),
        pltpu.VMEM((QB, BCH), jnp.int32),
        pltpu.VMEM((NB, BCH, F), jnp.float32),
        pltpu.SemaphoreType.DMA((NB,)),
        pltpu.VMEM_SHARED((NP, F), jnp.float32),
    ]
    run = pl.kernel(
        body,
        out_type=jax.ShapeDtypeStruct((NC, NP, F), jnp.float32),
        mesh=mesh,
        scratch_types=scratch,
        compiler_params=pltpu.CompilerParams(use_tc_tiling_on_sc=False),
    )
    return run(y, srcr, dstr, zeros)


def _tc_call(fn, out_widths, *args):
    in_specs = []
    for a in args:
        if a.ndim == 2 and a.shape[0] == NP:
            in_specs.append(
                pl.BlockSpec((BN, a.shape[1]), lambda i: (i, 0)))
        else:
            nd = a.ndim
            in_specs.append(
                pl.BlockSpec(a.shape, lambda i, _nd=nd: (0,) * _nd))
    out_specs = [pl.BlockSpec((BN, w), lambda i: (i, 0)) for w in out_widths]
    out_shape = [jax.ShapeDtypeStruct((NP, w), jnp.float32)
                 for w in out_widths]
    outs = pl.pallas_call(
        fn,
        grid=(NP // BN,),
        in_specs=in_specs,
        out_specs=out_specs,
        out_shape=out_shape,
    )(*args)
    return outs


def _mm(a, w):
    return jnp.dot(a, w, preferred_element_type=jnp.float32)


def kernel(x, edge_index, gW1, gb1, gW2, gb2, gW3, gb3, gW4, gb4,
           lW1, lb1, lW2, lb2, dlW1, dlb1, dlW2, dlb2,
           dgW1, dgb1, dgW2, dgb2, dgW3, dgb3, dgW4, dgb4):
    f32 = jnp.float32
    E = edge_index.shape[1]
    idx_arrays = {}
    for bch, t, _qb in _CFG.values():
        if bch in idx_arrays:
            continue
        ep = NW * t * bch
        pad_idx = (N + jnp.arange(ep - E, dtype=jnp.int32) % 16)
        idx_arrays[bch] = (
            jnp.concatenate(
                [edge_index[0].astype(jnp.int32), pad_idx]).reshape(
                    NW, t, bch),
            jnp.concatenate(
                [edge_index[1].astype(jnp.int32), pad_idx]).reshape(
                    NW, t, bch))
    xp = jnp.concatenate([x.astype(f32), jnp.zeros((NP - N, 128), f32)])
    ones8 = jnp.ones((NP, 8), f32)
    z8 = jnp.zeros((NP, 8), f32)

    def bias(b):
        return b.reshape(1, -1).astype(f32)

    bch8, t8, qb8 = _CFG[8]
    dp = _sc_propagate(ones8, idx_arrays[bch8][0], idx_arrays[bch8][1],
                       z8, t8, qb8, True)

    def s0(dp0, dp1, x_r, dinv_o, y1_o):
        dinv = lax.rsqrt(dp0[:, 0:1] + dp1[:, 0:1] + 1.0)
        dinv_o[...] = dinv
        y1_o[...] = dinv * x_r[...]

    dinv, y1 = _tc_call(s0, [1, 128], dp[0], dp[1], xp)

    def prop(y, F):
        bch, t, qb = _CFG[F]
        zz = jnp.zeros((NP, F), f32)
        return _sc_propagate(y, idx_arrays[bch][0], idx_arrays[bch][1],
                             zz, t, qb, False)

    p = prop(y1, 128)

    def s1(p0, p1, y, dv, W1, b1, W2, y2_o):
        t = dv[...] * (p0[...] + p1[...] + y[...])
        h = jax.nn.relu(_mm(t, W1[...]) + b1[...])
        y2_o[...] = dv[...] * _mm(h, W2[...])

    (y2,) = _tc_call(s1, [80], p[0], p[1], y1, dinv, gW1, bias(gb1), gW2)

    p = prop(y2, 80)

    def s2(p0, p1, y, dv, b2, W3, y3_o):
        h = jax.nn.relu(dv[...] * (p0[...] + p1[...] + y[...]) + b2[...])
        y3_o[...] = dv[...] * _mm(h, W3[...])

    (y3,) = _tc_call(s2, [40], p[0], p[1], y2, dinv, bias(gb2), gW3)

    p = prop(y3, 40)

    def s3(p0, p1, y, dv, b3, W4, y4_o):
        h = jax.nn.relu(dv[...] * (p0[...] + p1[...] + y[...]) + b3[...])
        y4_o[...] = dv[...] * _mm(h, W4[...])

    gW4p = jnp.concatenate([gW4.astype(f32), jnp.zeros((40, 12), f32)], 1)
    (y4,) = _tc_call(s3, [32], p[0], p[1], y3, dinv, bias(gb3), gW4p)

    p = prop(y4, 32)

    def s4(p0, p1, y, dv, b4, W_l1, b_l1, W_l2, b_l2,
           W_d1, b_d1, W_d2, b_d2, y5_o):
        h = jax.nn.relu(dv[...] * (p0[...] + p1[...] + y[...]) + b4[...])
        h = jax.nn.relu(_mm(h, W_l1[...]) + b_l1[...])
        h = _mm(h, W_l2[...]) + b_l2[...]
        h = jax.nn.relu(_mm(h, W_d1[...]) + b_d1[...])
        h = jax.nn.relu(_mm(h, W_d2[...]) + b_d2[...])
        y5_o[...] = dv[...] * h

    gb4p = jnp.concatenate([gb4.astype(f32), jnp.zeros((12,), f32)])
    lW1p = jnp.concatenate([lW1.astype(f32), jnp.zeros((12, 10), f32)], 0)
    dlW2p = jnp.concatenate([dlW2.astype(f32), jnp.zeros((10, 12), f32)], 1)
    dlb2p = jnp.concatenate([dlb2.astype(f32), jnp.zeros((12,), f32)])
    (y5,) = _tc_call(s4, [32], p[0], p[1], y4, dinv, bias(gb4p),
                     lW1p, bias(lb1), lW2, bias(lb2),
                     dlW1, bias(dlb1), dlW2p, bias(dlb2p))

    p = prop(y5, 32)

    def s5(p0, p1, y, dv, W, b, y6_o):
        t = dv[...] * (p0[...] + p1[...] + y[...])
        y6_o[...] = dv[...] * jax.nn.relu(_mm(t, W[...]) + b[...])

    dgW1p = jnp.concatenate([dgW1.astype(f32), jnp.zeros((12, 40), f32)], 0)
    (y6,) = _tc_call(s5, [40], p[0], p[1], y5, dinv, dgW1p, bias(dgb1))

    p = prop(y6, 40)

    def s6(p0, p1, y, dv, W, b, y7_o):
        t = dv[...] * (p0[...] + p1[...] + y[...])
        y7_o[...] = dv[...] * jax.nn.relu(_mm(t, W[...]) + b[...])

    (y7,) = _tc_call(s6, [80], p[0], p[1], y6, dinv, dgW2, bias(dgb2))

    p = prop(y7, 80)

    def s7(p0, p1, y, dv, W3_, b3_, W4_, y8_o):
        t = dv[...] * (p0[...] + p1[...] + y[...])
        h = jax.nn.relu(_mm(t, W3_[...]) + b3_[...])
        y8_o[...] = dv[...] * _mm(h, W4_[...])

    dgW4p = jnp.concatenate([dgW4.astype(f32), jnp.zeros((160, 5), f32)], 1)
    (y8,) = _tc_call(s7, [8], p[0], p[1], y7, dinv, dgW3, bias(dgb3), dgW4p)

    p = prop(y8, 8)
    dgb4p = jnp.concatenate([dgb4.astype(f32), jnp.zeros((5,), f32)])

    def s8(p0, p1, y, dv, b, out_o):
        out_o[...] = jnp.tanh(
            dv[...] * (p0[...] + p1[...] + y[...]) + b[...])

    (out,) = _tc_call(s8, [8], p[0], p[1], y8, dinv, bias(dgb4p))
    return out[:N, :3]

# --- scband reference (transcript-rebuilt; emitter-appended) ---
"""Pipeline reference for scband-gccn-21388937134842 (READ-ONLY COPY).

The authoritative reference and input builder live on the scoring server;
editing this copy changes nothing except your own understanding.
"""

import jax, jax.numpy as jnp
import numpy as np


def gcn_conv(x, src, dst, N, W, b):
    # PyG GCNConv with add_self_loops=True (src/dst already include self loops):
    # out = D^{-1/2} (A+I) D^{-1/2} X W + b
    h = x @ W
    deg = jnp.zeros((N,), x.dtype).at[dst].add(1.0)
    dinv = jax.lax.rsqrt(deg)
    norm = dinv[src] * dinv[dst]
    out = jnp.zeros((N, h.shape[1]), x.dtype).at[dst].add(norm[:, None] * h[src])
    return out + b


_LAYERS = [("gW1", "gb1", 128, 160), ("gW2", "gb2", 160, 80), ("gW3", "gb3", 80, 40),
           ("gW4", "gb4", 40, 20), ("lW1", "lb1", 20, 10), ("lW2", "lb2", 10, 3),
           ("dlW1", "dlb1", 3, 10), ("dlW2", "dlb2", 10, 20), ("dgW1", "dgb1", 20, 40),
           ("dgW2", "dgb2", 40, 80), ("dgW3", "dgb3", 80, 160), ("dgW4", "dgb4", 160, 3)]


def setup_inputs(seed: int = 0) -> dict:
    key = jax.random.key(seed)
    N, E, D = 10000, 320000, 128
    ks = jax.random.split(key, 2 + len(_LAYERS))
    inp = {
        "x": jax.random.normal(ks[0], (N, D), jnp.float32),
        "edge_index": jax.random.randint(ks[1], (2, E), 0, N),
    }
    for i, (wn, bn, fi, fo) in enumerate(_LAYERS):
        inp[wn] = jax.random.normal(ks[2 + i], (fi, fo), jnp.float32) / np.sqrt(fi)
        inp[bn] = jnp.zeros((fo,), jnp.float32)
    return inp


def reference(x, edge_index, gW1, gb1, gW2, gb2, gW3, gb3, gW4, gb4,
              lW1, lb1, lW2, lb2, dlW1, dlb1, dlW2, dlb2,
              dgW1, dgb1, dgW2, dgb2, dgW3, dgb3, dgW4, dgb4):
    N = x.shape[0]
    loop = jnp.arange(N)
    src = jnp.concatenate([edge_index[0], loop])
    dst = jnp.concatenate([edge_index[1], loop])
    # encoder
    h = jax.nn.relu(gcn_conv(x, src, dst, N, gW1, gb1))
    h = jax.nn.relu(gcn_conv(h, src, dst, N, gW2, gb2))
    h = jax.nn.relu(gcn_conv(h, src, dst, N, gW3, gb3))
    h = jax.nn.relu(gcn_conv(h, src, dst, N, gW4, gb4))
    h = jax.nn.relu(h @ lW1 + lb1)
    h = h @ lW2 + lb2
    # decoder
    h = jax.nn.relu(h @ dlW1 + dlb1)
    h = jax.nn.relu(h @ dlW2 + dlb2)
    h = jax.nn.relu(gcn_conv(h, src, dst, N, dgW1, dgb1))
    h = jax.nn.relu(gcn_conv(h, src, dst, N, dgW2, dgb2))
    h = jax.nn.relu(gcn_conv(h, src, dst, N, dgW3, dgb3))
    h = jnp.tanh(gcn_conv(h, src, dst, N, dgW4, dgb4))
    return h

if __name__ == "__main__":
    import jax
    _d = setup_inputs()
    print(jax.jit(kernel)(*tuple(_d.values())))

</pallas_src>

<mosaic_0001>
#map = affine_map<(d0, d1) -> (0, 0)>
#map1 = affine_map<(d0, d1) -> (0, 0, 0)>
module attributes {stable_mosaic.version = 14 : i64} {
  func.func @body(%arg0: i32, %arg1: i32, %arg2: memref<10240x8xf32, #tpu.memory_space<hbm>>, %arg3: memref<32x2x5000xi32, #tpu.memory_space<hbm>>, %arg4: memref<32x2x5000xi32, #tpu.memory_space<hbm>>, %arg5: memref<10240x8xf32, #tpu.memory_space<hbm>>, %arg6: memref<2x10240x8xf32, #tpu.memory_space<hbm>>, %arg7: memref<2x5000xi32, #tpu.memory_space<vmem>>, %arg8: memref<2x5000xi32, #tpu.memory_space<vmem>>, %arg9: memref<1x5000x8xf32, #tpu.memory_space<vmem>>, %arg10: memref<1x!tpu.dma_semaphore, #tpu.memory_space<semaphore_mem>>, %arg11: memref<10240x8xf32, #tpu.memory_space<vmem_shared>>) attributes {dimension_semantics = [#tpu.dimension_semantics<core_parallel>, #tpu.dimension_semantics<subcore_parallel>], iteration_bounds = array<i64: 2, 16>, scalar_prefetch = 0 : i64, scratch_operands = 5 : i64, tpu.core_type = #tpu.core_type<sc_vector_subcore>, window_params = [{transform_indices = #map}, {transform_indices = #map1}, {transform_indices = #map1}, {transform_indices = #map}, {transform_indices = #map1}]} {
    %mul3A = arith.constant 2 : i32
    %mul3A_0 = arith.muli %arg1, %mul3A : i32
    %add3A = arith.addi %mul3A_0, %arg0 : i32
    %mul3A_1 = arith.constant 640 : i32
    %mul3A_2 = arith.muli %arg1, %mul3A_1 : i32
    "tpu.region"() ({
      %run_scoped3A_12 = tpu.sem_alloc : memref<!tpu.dma_semaphore, #tpu.memory_space<semaphore_mem>>
      %dma_start3A = arith.constant 0 : i32
      %dma_start3A_13 = tpu.memref_slice %arg11[%mul3A_2, %dma_start3A] : memref<10240x8xf32, #tpu.memory_space<vmem_shared>> -> memref<640x8xf32, #tpu.memory_space<vmem_shared>>
      %dma_start3A_14 = arith.constant 0 : i32
      %dma_start3A_15 = tpu.memref_slice %arg5[%mul3A_2, %dma_start3A_14] : memref<10240x8xf32, #tpu.memory_space<hbm>> -> memref<640x8xf32, #tpu.memory_space<hbm>>
      tpu.enqueue_dma source(%dma_start3A_15 : memref<640x8xf32, #tpu.memory_space<hbm>>) target(%dma_start3A_13 : memref<640x8xf32, #tpu.memory_space<vmem_shared>>) target_semaphore(%run_scoped3A_12 : memref<!tpu.dma_semaphore, #tpu.memory_space<semaphore_mem>>)
      %dma_wait3A = arith.constant 0 : i32
      %dma_wait3A_16 = tpu.memref_slice %arg11[%mul3A_2, %dma_wait3A] : memref<10240x8xf32, #tpu.memory_space<vmem_shared>> -> memref<640x8xf32, #tpu.memory_space<vmem_shared>>
      %dma_wait3A_17 = arith.constant 0 : i32
      %dma_wait3A_18 = tpu.memref_slice %arg5[%mul3A_2, %dma_wait3A_17] : memref<10240x8xf32, #tpu.memory_space<hbm>> -> memref<640x8xf32, #tpu.memory_space<hbm>>
      tpu.wait_dma2 semaphore(%run_scoped3A_12 : memref<!tpu.dma_semaphore, #tpu.memory_space<semaphore_mem>>) src(%dma_wait3A_18 : memref<640x8xf32, #tpu.memory_space<hbm>>) dst(%dma_wait3A_16 : memref<640x8xf32, #tpu.memory_space<vmem_shared>>)
      tpu.yield
    }) : () -> ()
    %run_scoped3A = arith.constant 0 : i32
    "tpu.region"() ({
      %run_scoped3A_12 = tpu.sem_alloc : memref<!tpu.dma_semaphore, #tpu.memory_space<semaphore_mem>>
      %dma_start3A = arith.constant 0 : i32
      %dma_start3A_13 = arith.constant 0 : i32
      %dma_start3A_14 = tpu.memref_slice %arg9[%run_scoped3A, %dma_start3A, %dma_start3A_13] : memref<1x5000x8xf32, #tpu.memory_space<vmem>> -> memref<1x5000x8xf32, #tpu.memory_space<vmem>>
      %dma_start3A_15 = tpu.memref_squeeze %dma_start3A_14 : memref<1x5000x8xf32, #tpu.memory_space<vmem>> -> memref<5000x8xf32, #tpu.memory_space<vmem>>
      %dma_start3A_16 = arith.constant 0 : i32
      %dma_start3A_17 = arith.constant 0 : i32
      %dma_start3A_18 = tpu.memref_slice %arg2[%dma_start3A_16, %dma_start3A_17] : memref<10240x8xf32, #tpu.memory_space<hbm>> -> memref<5000x8xf32, #tpu.memory_space<hbm>>
      %dma_start3A_19 = arith.constant 0 : i32
      %dma_start3A_20 = arith.constant 0 : i32
      %dma_start3A_21 = tpu.memref_slice %arg9[%run_scoped3A, %dma_start3A_19, %dma_start3A_20] : memref<1x5000x8xf32, #tpu.memory_space<vmem>> -> memref<1x5000x8xf32, #tpu.memory_space<vmem>>
      %dma_start3A_22 = tpu.memref_squeeze %dma_start3A_21 : memref<1x5000x8xf32, #tpu.memory_space<vmem>> -> memref<5000x8xf32, #tpu.memory_space<vmem>>
      %dma_start3A_23 = arith.constant 0 : i32
      %dma_start3A_24 = arith.constant 0 : i32
      %dma_start3A_25 = tpu.memref_slice %arg2[%dma_start3A_23, %dma_start3A_24] : memref<10240x8xf32, #tpu.memory_space<hbm>> -> memref<5000x8xf32, #tpu.memory_space<hbm>>
      tpu.enqueue_dma source(%dma_start3A_25 : memref<5000x8xf32, #tpu.memory_space<hbm>>) target(%dma_start3A_22 : memref<5000x8xf32, #tpu.memory_space<vmem>>) target_semaphore(%run_scoped3A_12 : memref<!tpu.dma_semaphore, #tpu.memory_space<semaphore_mem>>)
      %dma_wait3A = arith.constant 0 : i32
      %dma_wait3A_26 = arith.constant 0 : i32
      %dma_wait3A_27 = tpu.memref_slice %arg9[%run_scoped3A, %dma_wait3A, %dma_wait3A_26] : memref<1x5000x8xf32, #tpu.memory_space<vmem>> -> memref<1x5000x8xf32, #tpu.memory_space<vmem>>
      %dma_wait3A_28 = tpu.memref_squeeze %dma_wait3A_27 : memref<1x5000x8xf32, #tpu.memory_space<vmem>> -> memref<5000x8xf32, #tpu.memory_space<vmem>>
      %dma_wait3A_29 = arith.constant 0 : i32
      %dma_wait3A_30 = arith.constant 0 : i32
      %dma_wait3A_31 = tpu.memref_slice %arg2[%dma_wait3A_29, %dma_wait3A_30] : memref<10240x8xf32, #tpu.memory_space<hbm>> -> memref<5000x8xf32, #tpu.memory_space<hbm>>
      %dma_wait3A_32 = arith.constant 0 : i32
      %dma_wait3A_33 = arith.constant 0 : i32
      %dma_wait3A_34 = tpu.memref_slice %arg9[%run_scoped3A, %dma_wait3A_32, %dma_wait3A_33] : memref<1x5000x8xf32, #tpu.memory_space<vmem>> -> memref<1x5000x8xf32, #tpu.memory_space<vmem>>
      %dma_wait3A_35 = tpu.memref_squeeze %dma_wait3A_34 : memref<1x5000x8xf32, #tpu.memory_space<vmem>> -> memref<5000x8xf32, #tpu.memory_space<vmem>>
      %dma_wait3A_36 = arith.constant 0 : i32
      %dma_wait3A_37 = arith.constant 0 : i32
      %dma_wait3A_38 = tpu.memref_slice %arg2[%dma_wait3A_36, %dma_wait3A_37] : memref<10240x8xf32, #tpu.memory_space<hbm>> -> memref<5000x8xf32, #tpu.memory_space<hbm>>
      tpu.wait_dma2 semaphore(%run_scoped3A_12 : memref<!tpu.dma_semaphore, #tpu.memory_space<semaphore_mem>>) src(%dma_wait3A_38 : memref<5000x8xf32, #tpu.memory_space<hbm>>) dst(%dma_wait3A_35 : memref<5000x8xf32, #tpu.memory_space<vmem>>)
      tpu.yield
    }) : () -> ()
    %barrier3A = arith.constant 0 : index
    tpu.barrier barrier_id(%barrier3A)
    %scan3A = arith.constant 0 : i32
    %scan3A_3 = arith.constant 0 : i32
    %mul3A_4 = arith.constant 2 : i32
    %mul3A_5 = arith.muli %scan3A_3, %mul3A_4 : i32
    "tpu.region"() ({
      %run_scoped3A_12 = tpu.sem_alloc : memref<!tpu.dma_semaphore, #tpu.memory_space<semaphore_mem>>
      %dma_start3A = arith.constant 0 : i32
      %dma_start3A_13 = tpu.memref_slice %arg4[%add3A, %mul3A_5, %dma_start3A] : memref<32x2x5000xi32, #tpu.memory_space<hbm>> -> memref<1x2x5000xi32, #tpu.memory_space<hbm>>
      %dma_start3A_14 = tpu.memref_squeeze %dma_start3A_13 : memref<1x2x5000xi32, #tpu.memory_space<hbm>> -> memref<2x5000xi32, #tpu.memory_space<hbm>>
      %dma_start3A_15 = arith.constant 0 : i32
      %dma_start3A_16 = tpu.memref_slice %arg4[%add3A, %mul3A_5, %dma_start3A_15] : memref<32x2x5000xi32, #tpu.memory_space<hbm>> -> memref<1x2x5000xi32, #tpu.memory_space<hbm>>
      %dma_start3A_17 = tpu.memref_squeeze %dma_start3A_16 : memref<1x2x5000xi32, #tpu.memory_space<hbm>> -> memref<2x5000xi32, #tpu.memory_space<hbm>>
      tpu.enqueue_dma source(%dma_start3A_17 : memref<2x5000xi32, #tpu.memory_space<hbm>>) target(%arg8 : memref<2x5000xi32, #tpu.memory_space<vmem>>) target_semaphore(%run_scoped3A_12 : memref<!tpu.dma_semaphore, #tpu.memory_space<semaphore_mem>>)
      %dma_wait3A = arith.constant 0 : i32
      %dma_wait3A_18 = tpu.memref_slice %arg4[%add3A, %mul3A_5, %dma_wait3A] : memref<32x2x5000xi32, #tpu.memory_space<hbm>> -> memref<1x2x5000xi32, #tpu.memory_space<hbm>>
      %dma_wait3A_19 = tpu.memref_squeeze %dma_wait3A_18 : memref<1x2x5000xi32, #tpu.memory_space<hbm>> -> memref<2x5000xi32, #tpu.memory_space<hbm>>
      %dma_wait3A_20 = arith.constant 0 : i32
      %dma_wait3A_21 = tpu.memref_slice %arg4[%add3A, %mul3A_5, %dma_wait3A_20] : memref<32x2x5000xi32, #tpu.memory_space<hbm>> -> memref<1x2x5000xi32, #tpu.memory_space<hbm>>
      %dma_wait3A_22 = tpu.memref_squeeze %dma_wait3A_21 : memref<1x2x5000xi32, #tpu.memory_space<hbm>> -> memref<2x5000xi32, #tpu.memory_space<hbm>>
      tpu.wait_dma2 semaphore(%run_scoped3A_12 : memref<!tpu.dma_semaphore, #tpu.memory_space<semaphore_mem>>) src(%dma_wait3A_22 : memref<2x5000xi32, #tpu.memory_space<hbm>>) dst(%arg8 : memref<2x5000xi32, #tpu.memory_space<vmem>>)
      tpu.yield
    }) : () -> ()
    %run_scoped3A_6 = arith.constant 0 : i32
    %run_scoped3A_7 = arith.constant 0 : i32
    "tpu.region"() ({
      %run_scoped3A_12 = tpu.sem_alloc : memref<!tpu.dma_semaphore, #tpu.memory_space<semaphore_mem>>
      %dma_start3A = arith.constant 0 : i32
      %dma_start3A_13 = arith.constant 0 : i32
      %dma_start3A_14 = tpu.memref_slice %arg9[%run_scoped3A_6, %dma_start3A, %dma_start3A_13] : memref<1x5000x8xf32, #tpu.memory_space<vmem>> -> memref<1x5000x8xf32, #tpu.memory_space<vmem>>
      %dma_start3A_15 = tpu.memref_squeeze %dma_start3A_14 : memref<1x5000x8xf32, #tpu.memory_space<vmem>> -> memref<5000x8xf32, #tpu.memory_space<vmem>>
      %dma_start3A_16 = arith.constant 0 : i32
      %dma_start3A_17 = tpu.memref_slice %arg8[%run_scoped3A_7, %dma_start3A_16] : memref<2x5000xi32, #tpu.memory_space<vmem>> -> memref<1x5000xi32, #tpu.memory_space<vmem>>
      %dma_start3A_18 = tpu.memref_squeeze %dma_start3A_17 : memref<1x5000xi32, #tpu.memory_space<vmem>> -> memref<5000xi32, #tpu.memory_space<vmem>>
      %dma_start3A_19 = arith.constant 0 : i32
      %dma_start3A_20 = arith.constant 0 : i32
      %dma_start3A_21 = tpu.memref_slice %arg11[%dma_start3A_19, %dma_start3A_20] : memref<10240x8xf32, #tpu.memory_space<vmem_shared>> -> memref<10240x8xf32, #tpu.memory_space<vmem_shared>>
      tpu.enqueue_indirect_dma source(%dma_start3A_15 : memref<5000x8xf32, #tpu.memory_space<vmem>>) target(%dma_start3A_21 : memref<10240x8xf32, #tpu.memory_space<vmem_shared>>) offsets(%dma_start3A_18 : memref<5000xi32, #tpu.memory_space<vmem>>) semaphore(%run_scoped3A_12 : memref<!tpu.dma_semaphore, #tpu.memory_space<semaphore_mem>>) {add = true}
      %dma_wait3A = arith.constant 0 : i32
      %dma_wait3A_22 = arith.constant 0 : i32
      %dma_wait3A_23 = tpu.memref_slice %arg9[%run_scoped3A_6, %dma_wait3A, %dma_wait3A_22] : memref<1x5000x8xf32, #tpu.memory_space<vmem>> -> memref<1x5000x8xf32, #tpu.memory_space<vmem>>
      %dma_wait3A_24 = tpu.memref_squeeze %dma_wait3A_23 : memref<1x5000x8xf32, #tpu.memory_space<vmem>> -> memref<5000x8xf32, #tpu.memory_space<vmem>>
      %dma_wait3A_25 = arith.constant 0 : i32
      %dma_wait3A_26 = tpu.memref_slice %arg8[%run_scoped3A_7, %dma_wait3A_25] : memref<2x5000xi32, #tpu.memory_space<vmem>> -> memref<1x5000xi32, #tpu.memory_space<vmem>>
      %dma_wait3A_27 = tpu.memref_squeeze %dma_wait3A_26 : memref<1x5000xi32, #tpu.memory_space<vmem>> -> memref<5000xi32, #tpu.memory_space<vmem>>
      %dma_wait3A_28 = arith.constant 0 : i32
      %dma_wait3A_29 = arith.constant 0 : i32
      %dma_wait3A_30 = tpu.memref_slice %arg11[%dma_wait3A_28, %dma_wait3A_29] : memref<10240x8xf32, #tpu.memory_space<vmem_shared>> -> memref<10240x8xf32, #tpu.memory_space<vmem_shared>>
      tpu.wait_indirect_dma semaphore(%run_scoped3A_12 : memref<!tpu.dma_semaphore, #tpu.memory_space<semaphore_mem>>) src(%dma_wait3A_24 : memref<5000x8xf32, #tpu.memory_space<vmem>>) dst(%dma_wait3A_30 : memref<10240x8xf32, #tpu.memory_space<vmem_shared>>)
      tpu.yield
    }) : () -> ()
    %run_scoped3A_8 = arith.constant 0 : i32
    %run_scoped3A_9 = arith.constant 1 : i32
    "tpu.region"() ({
      %run_scoped3A_12 = tpu.sem_alloc : memref<!tpu.dma_semaphore, #tpu.memory_space<semaphore_mem>>
      %dma_start3A = arith.constant 0 : i32
      %dma_start3A_13 = arith.constant 0 : i32
      %dma_start3A_14 = tpu.memref_slice %arg9[%run_scoped3A_8, %dma_start3A, %dma_start3A_13] : memref<1x5000x8xf32, #tpu.memory_space<vmem>> -> memref<1x5000x8xf32, #tpu.memory_space<vmem>>
      %dma_start3A_15 = tpu.memref_squeeze %dma_start3A_14 : memref<1x5000x8xf32, #tpu.memory_space<vmem>> -> memref<5000x8xf32, #tpu.memory_space<vmem>>
      %dma_start3A_16 = arith.constant 0 : i32
      %dma_start3A_17 = tpu.memref_slice %arg8[%run_scoped3A_9, %dma_start3A_16] : memref<2x5000xi32, #tpu.memory_space<vmem>> -> memref<1x5000xi32, #tpu.memory_space<vmem>>
      %dma_start3A_18 = tpu.memref_squeeze %dma_start3A_17 : memref<1x5000xi32, #tpu.memory_space<vmem>> -> memref<5000xi32, #tpu.memory_space<vmem>>
      %dma_start3A_19 = arith.constant 0 : i32
      %dma_start3A_20 = arith.constant 0 : i32
      %dma_start3A_21 = tpu.memref_slice %arg11[%dma_start3A_19, %dma_start3A_20] : memref<10240x8xf32, #tpu.memory_space<vmem_shared>> -> memref<10240x8xf32, #tpu.memory_space<vmem_shared>>
      tpu.enqueue_indirect_dma source(%dma_start3A_15 : memref<5000x8xf32, #tpu.memory_space<vmem>>) target(%dma_start3A_21 : memref<10240x8xf32, #tpu.memory_space<vmem_shared>>) offsets(%dma_start3A_18 : memref<5000xi32, #tpu.memory_space<vmem>>) semaphore(%run_scoped3A_12 : memref<!tpu.dma_semaphore, #tpu.memory_space<semaphore_mem>>) {add = true}
      %dma_wait3A = arith.constant 0 : i32
      %dma_wait3A_22 = arith.constant 0 : i32
      %dma_wait3A_23 = tpu.memref_slice %arg9[%run_scoped3A_8, %dma_wait3A, %dma_wait3A_22] : memref<1x5000x8xf32, #tpu.memory_space<vmem>> -> memref<1x5000x8xf32, #tpu.memory_space<vmem>>
      %dma_wait3A_24 = tpu.memref_squeeze %dma_wait3A_23 : memref<1x5000x8xf32, #tpu.memory_space<vmem>> -> memref<5000x8xf32, #tpu.memory_space<vmem>>
      %dma_wait3A_25 = arith.constant 0 : i32
      %dma_wait3A_26 = tpu.memref_slice %arg8[%run_scoped3A_9, %dma_wait3A_25] : memref<2x5000xi32, #tpu.memory_space<vmem>> -> memref<1x5000xi32, #tpu.memory_space<vmem>>
      %dma_wait3A_27 = tpu.memref_squeeze %dma_wait3A_26 : memref<1x5000xi32, #tpu.memory_space<vmem>> -> memref<5000xi32, #tpu.memory_space<vmem>>
      %dma_wait3A_28 = arith.constant 0 : i32
      %dma_wait3A_29 = arith.constant 0 : i32
      %dma_wait3A_30 = tpu.memref_slice %arg11[%dma_wait3A_28, %dma_wait3A_29] : memref<10240x8xf32, #tpu.memory_space<vmem_shared>> -> memref<10240x8xf32, #tpu.memory_space<vmem_shared>>
      tpu.wait_indirect_dma semaphore(%run_scoped3A_12 : memref<!tpu.dma_semaphore, #tpu.memory_space<semaphore_mem>>) src(%dma_wait3A_24 : memref<5000x8xf32, #tpu.memory_space<vmem>>) dst(%dma_wait3A_30 : memref<10240x8xf32, #tpu.memory_space<vmem_shared>>)
      tpu.yield
    }) : () -> ()
    %scan3A_10 = arith.constant 1 : i32
    %barrier3A_11 = arith.constant 0 : index
    tpu.barrier barrier_id(%barrier3A_11)
    "tpu.region"() ({
      %run_scoped3A_12 = tpu.sem_alloc : memref<!tpu.dma_semaphore, #tpu.memory_space<semaphore_mem>>
      %dma_start3A = arith.constant 0 : i32
      %dma_start3A_13 = tpu.memref_slice %arg6[%arg0, %mul3A_2, %dma_start3A] : memref<2x10240x8xf32, #tpu.memory_space<hbm>> -> memref<1x640x8xf32, #tpu.memory_space<hbm>>
      %dma_start3A_14 = tpu.memref_squeeze %dma_start3A_13 : memref<1x640x8xf32, #tpu.memory_space<hbm>> -> memref<640x8xf32, #tpu.memory_space<hbm>>
      %dma_start3A_15 = arith.constant 0 : i32
      %dma_start3A_16 = tpu.memref_slice %arg11[%mul3A_2, %dma_start3A_15] : memref<10240x8xf32, #tpu.memory_space<vmem_shared>> -> memref<640x8xf32, #tpu.memory_space<vmem_shared>>
      tpu.enqueue_dma source(%dma_start3A_16 : memref<640x8xf32, #tpu.memory_space<vmem_shared>>) target(%dma_start3A_14 : memref<640x8xf32, #tpu.memory_space<hbm>>) target_semaphore(%run_scoped3A_12 : memref<!tpu.dma_semaphore, #tpu.memory_space<semaphore_mem>>)
      %dma_wait3A = arith.constant 0 : i32
      %dma_wait3A_17 = tpu.memref_slice %arg6[%arg0, %mul3A_2, %dma_wait3A] : memref<2x10240x8xf32, #tpu.memory_space<hbm>> -> memref<1x640x8xf32, #tpu.memory_space<hbm>>
      %dma_wait3A_18 = tpu.memref_squeeze %dma_wait3A_17 : memref<1x640x8xf32, #tpu.memory_space<hbm>> -> memref<640x8xf32, #tpu.memory_space<hbm>>
      %dma_wait3A_19 = arith.constant 0 : i32
      %dma_wait3A_20 = tpu.memref_slice %arg11[%mul3A_2, %dma_wait3A_19] : memref<10240x8xf32, #tpu.memory_space<vmem_shared>> -> memref<640x8xf32, #tpu.memory_space<vmem_shared>>
      tpu.wait_dma2 semaphore(%run_scoped3A_12 : memref<!tpu.dma_semaphore, #tpu.memory_space<semaphore_mem>>) src(%dma_wait3A_20 : memref<640x8xf32, #tpu.memory_space<vmem_shared>>) dst(%dma_wait3A_18 : memref<640x8xf32, #tpu.memory_space<hbm>>)
      tpu.yield
    }) : () -> ()
    return
  }
}

</mosaic_0001>

<sc_bundles>
// kernel: _sc_propagate.3.cloned.1.call-start
scs
__scs_entry_jumppad:
0x0: {  	(pc) =	sbr.rel $0x88, $3  }
0x1: {  	(tag) =	ssettag $0x0;
	lr =	simm.s32 $0x1  }
0x2: {  	[smem:$0x3F9D] =	sst lr;
	_ =	strace $0xD0000000  }
0x3: {  	_ = 	snop  }
0x4: {  	_ = 	snop  }
0x5: {  	_ = 	snop  }
0x6: {  	_ = 	snop  }
0x7: {  	_ = 	snop  }
__scs_overlays_trampoline_lowered:
0x8: {  	[smem:$0x3FAC] =	sst s0  }
0x9: {  	[smem:$0x3FAD] =	sst s1  }
0xa: {  	[smem:$0x3FAE] =	sst s2  }
0xb: {  	[smem:$0x3FAF] =	sst s3  }
0xc: {  	[smem:$0x3FB0] =	sst s4  }
0xd: {  	[smem:$0x3FB1] =	sst s5  }
0xe: {  	[smem:$0x3FB2] =	sst s6  }
0xf: {  	[smem:$0x3FB3] =	sst s7  }
0x10: {  	[smem:$0x3FB4] =	sst s8  }
0x11: {  	[smem:$0x3FB5] =	sst s9;
	s0 =	simm.s32 @!p0 $0x0  }
0x12: {  	s1 =	sld [smem:$0x3F9B];
	s0 =	simm.s32 @p0 $0x1  }
0x13: {  	[smem:$0x3FB6] =	sst s0;
	s0 =	simm.s32 @!p1 $0x0  }
0x14: {  	s2 =	sld [smem:$0x3F9A];
	s0 =	simm.s32 @p1 $0x1  }
0x15: {  	[smem:$0x3FB7] =	sst s0;
	s0 =	simm.s32 @!p2 $0x0  }
0x16: {  	s3 =	sld [smem:$0x3FDB];
	s0 =	simm.s32 @p2 $0x1  }
0x17: {  	s4 =	simm.s32 $0x1BF5;
	[smem:$0x3FB9] =	sst s0  }
0x18: {  	s0 =	sld [smem:$0x3F9C];
	_ =	swait.ge [sflag:s4], $0x0  }
0x19: {  	s7 =	sld [smem:$0x3F9D]  }
0x1a: {  	s8 =	sadd.s32 $0xFFFFE003, lr  }
0x1b: {  	s9 =	sadd.s32 $0xFFFFFEF7, lr;
	s5 =	simm.s32 $0xFFFFFFFF;
	p2 =	slt.u32 s8, $0xFFFFF086  }
0x1c: {  	p1 =	slt.u32 s9, $0xF7A;
	s5 =	simm.s32 @!p2 $0x0  }
0x1d: {  	s5 =	simm.s32 @p1 $0x1;
	p0 =	seq.s32 s7, s2  }
0x1e: {  	s7 =	smul.u32 @!p0 $0xF7A, s2;
	p2 =	seq.s32 @!p0 s5, $0x0  }
0x1f: {  	s9 =	smul.u32 $0xF7A, s1;
	s8 =	simm.s32 @!p0 $0x1BF5;
	p2 =	por !p2, p0  }
0x20: {  	[sflag:s8] =	ssyncset.s32 @!p0 $0xFFFFF086;
	s6 =	sadd.s32 @!p0 s3, s7;
	s7 =	simm.s32 @!p0 $0x108  }
0x21: {  	s3 =	sadd.s32 s3, s9;
	s6 =	sadd.s32 @!p0 $0x88, s6;
	s7 =	simm.s32 @p2 $0x1082  }
0x22: {  	[simem:s7], [sflag:s8] =	dma.local @!p0 [hbm:s6], $0xF7A  }
0x23: {  	s9 =	sor.u32 $0xD0000000, s2;
	s6 =	simm.s32 $0x108;
	_ =	swait.ge @!p0 [sflag:s8], $0x0  }
0x24: {  	s3 =	sadd.s32 $0x88, s3;
	s6 =	simm.s32 @!p1 $0x1082;
	[sflag:s4] =	ssyncset.s32 $0xFFFFF086  }
0x25: {  	[simem:s6], [sflag:s4] =	dma.local [hbm:s3], $0xF7A  }
0x26: {  	[smem:$0x3F9D] =	sst s1;
	(tag) =	ssettag s2;
	_ =	strace s9  }
0x27: {  	s1 =	sld [smem:$0x3FAD]  }
0x28: {  	s2 =	sld [smem:$0x3FAE]  }
0x29: {  	s4 =	sld [smem:$0x3FB0]  }
0x2a: {  	p0 =	seq.s32 s5, $0x0;
	s5 =	sld [smem:$0x3FB1]  }
0x2b: {  	s6 =	sld [smem:$0x3FB2]  }
0x2c: {  	s7 =	sld [smem:$0x3FB3]  }
0x2d: {  	s3 =	simm.s32 $0x108;
	s8 =	sld [smem:$0x3FB4]  }
0x2e: {  	s3 =	simm.s32 @!p0 $0x1082;
	s9 =	sld [smem:$0x3FB5]  }
0x2f: {  	lr =	sadd.s32 s0, s3;
	s0 =	sld [smem:$0x3FAC]  }
0x30: {  	s3 =	sld [smem:$0x3FAF]  }
0x31: {  	[smem:$0x3FB8] =	sst s10  }
0x32: {  	s10 =	sld [smem:$0x3FB6];
	_ =	sdelay $0x3  }
0x33: {  	p0 =	seq.s32 s10, $0x1;
	s10 =	sld [smem:$0x3FB8];
	_ =	sdelay $0x3  }
0x34: {  	[smem:$0x3FB8] =	sst s10  }
0x35: {  	s10 =	sld [smem:$0x3FB7];
	_ =	sdelay $0x3  }
0x36: {  	p1 =	seq.s32 s10, $0x1;
	s10 =	sld [smem:$0x3FB8];
	_ =	sdelay $0x3  }
0x37: {  	[smem:$0x3FB8] =	sst s10  }
0x38: {  	s10 =	sld [smem:$0x3FB9]  }
0x39: {  	_ = 	snop;
	(pc) =	sbr.ind lr, $3  }
0x3a: {  	_ = 	snop  }
0x3b: {  	_ = 	snop  }
0x3c: {  	p2 =	seq.s32 s10, $0x1;
	s10 =	sld [smem:$0x3FB8]  }
0x3d: {  	_ =	shalt  }
0x3e: {  	_ =	shalt  }
0x3f: {  	_ =	shalt  }
0x40: {  	_ =	shalt  }
0x41: {  	_ =	shalt  }
0x42: {  	_ =	shalt  }
0x43: {  	_ =	shalt  }
0x44: {  	_ =	shalt  }
0x45: {  	_ =	shalt  }
0x46: {  	_ =	shalt  }
0x47: {  	_ =	shalt  }
0x48: {  	_ =	shalt  }
0x49: {  	_ =	shalt  }
0x4a: {  	_ =	shalt  }
0x4b: {  	_ =	shalt  }
0x4c: {  	_ =	shalt  }
0x4d: {  	_ =	shalt  }
0x4e: {  	_ =	shalt  }
0x4f: {  	_ =	shalt  }
0x50: {  	_ =	shalt  }
0x51: {  	_ =	shalt  }
0x52: {  	_ =	shalt  }
0x53: {  	_ =	shalt  }
0x54: {  	_ =	shalt  }
0x55: {  	_ =	shalt  }
0x56: {  	_ =	shalt  }
0x57: {  	_ =	shalt  }
0x58: {  	_ =	shalt  }
0x59: {  	_ =	shalt  }
0x5a: {  	_ =	shalt  }
0x5b: {  	_ =	shalt  }
0x5c: {  	_ =	shalt  }
0x5d: {  	_ =	shalt  }
0x5e: {  	_ =	shalt  }
0x5f: {  	_ =	shalt  }
0x60: {  	_ =	shalt  }
0x61: {  	_ =	shalt  }
0x62: {  	_ =	shalt  }
0x63: {  	_ =	shalt  }
0x64: {  	_ =	shalt  }
0x65: {  	_ =	shalt  }
0x66: {  	_ =	shalt  }
0x67: {  	_ =	shalt  }
0x68: {  	_ =	shalt  }
0x69: {  	_ =	shalt  }
0x6a: {  	_ =	shalt  }
0x6b: {  	_ =	shalt  }
0x6c: {  	_ =	shalt  }
0x6d: {  	_ =	shalt  }
0x6e: {  	_ =	shalt  }
0x6f: {  	_ =	shalt  }
0x70: {  	_ =	shalt  }
0x71: {  	_ =	shalt  }
0x72: {  	_ =	shalt  }
0x73: {  	_ =	shalt  }
0x74: {  	_ =	shalt  }
0x75: {  	_ =	shalt  }
0x76: {  	_ =	shalt  }
0x77: {  	_ =	shalt  }
0x78: {  	_ =	shalt  }
0x79: {  	_ =	shalt  }
0x7a: {  	_ =	shalt  }
0x7b: {  	_ =	shalt  }
0x7c: {  	_ =	shalt  }
0x7d: {  	_ =	shalt  }
0x7e: {  	_ =	shalt  }
0x7f: {  	_ =	shalt  }
0x80: {  	_ =	shalt  }
0x81: {  	_ =	shalt  }
0x82: {  	_ =	shalt  }
0x83: {  	_ =	shalt  }
0x84: {  	_ =	shalt  }
0x85: {  	_ =	shalt  }
0x86: {  	_ =	shalt  }
0x87: {  	_ =	shalt  }
.Lfunc_end0:
.L_simem_size_0:
called_computation_lowered:
.L_overlay_start_0:
0x88: {  	s2 =	sld [smem:$0x3FD9]  }
0x89: {  	s3 =	sld [smem:$0x3FFE];
	_ =	sdelay $0x1  }
0x8a: {  	s1 =	srdreg.scid  }
0x8b: {  	s0 =	sand.u32 $0x1, s1  }
0x8c: {  	s17 =	sshll.u32 s0, $0xA;
	s2 =	sadd.s32 s3, s2  }
0x8d: {  	s2 =	sadd.s32 s2, s17  }
0x8e: {  	[smem:$0x3FC4] =	sst s2  }
0x8f: {  	_ = 	snop  }
0x90: {  	s2 =	sld [smem:$0x3FD0];
	(tm) =	ssettm $0x1  }
0x91: {  	s18 =	sld [smem:$0x3FFB];
	_ =	sdelay $0x3  }
0x92: {  	_ =	strace s18  }
0x93: {  	s3 =	sld [smem:$0x3FFC];
	_ =	sdelay $0x3  }
0x94: {  	_ =	strace s3  }
0x95: {  	s3 =	sld [smem:$0x3FFD];
	_ =	sdelay $0x3  }
0x96: {  	_ =	strace s3  }
0x97: {  	_ =	strace $0x8FFFFFFF  }
0x98: {  	s19 =	sld [smem:$0x3FDB];
	_ =	sdelay $0x1  }
0x99: {  	s4 =	simm.s32 $_scs_section_size  }
0x9a: {  	s5 =	simm.s32 $_size__tile_overlayer_lowered;
	s6 =	simm.s32 $_tile_overlayer_lowered  }
0x9b: {  	s22 =	simm.s32 $0x1BFF;
	s21 =	sshll.u32 s6, $0x1;
	s3 =	sadd.s32 s4, s19  }
0x9c: {  	s7 =	simm.s32 $0x0;
	s20 =	sshll.u32 s5, $0x1;
	s5 =	sadd.s32 s21, s3  }
0x9d: {  	[timem:s7], [sflag:s22] =	dma.local [hbm:s5], s20  }
0x9e: {  	_ =	swait.ge [sflag:s22], s20  }
0x9f: {  	s4 =	ssub.s32 $0x0, s20;
	[sflag:s22] =	ssyncset.done $0x0  }
0xa0: {  	[sflag:s22] =	ssyncadd.s32 s4;
	_ =	sdelay $0x1  }
0xa1: {  	s23 =	simm.s32 $0x1B8B  }
0xa2: {  	_ =	swait.ge [sflag:s23], $0x1  }
0xa3: {  	[sflag:s23] =	ssyncset.done $0x0  }
0xa4: {  	s25 =	simm.s32 $0x1B8E;
	s24 =	sld [smem:$0x3FFE];
	[sflag:s23] =	ssyncadd.s32 $0xFFFFFFFF  }
0xa5: {  	s26 =	simm.s32 $execute0_lowered;
	[smem:$0x3FD2] =	sst s25  }
0xa6: {  	s5 =	sshll.u32 s26, $0x1;
	_ =	strace $0x80000046;
	[dreg:$0x1] =	wrdreg $0xFFFFFFFF  }
0xa7: {  	s28 =	simm.s32 $_size_execute0_lowered;
	s3 =	sadd.s32 s3, s5;
	[dreg:$0x0] =	wrdreg $0x0  }
0xa8: {  	s5 =	sshll.u32 s28, $0x1;
	[dreg:$0x2] =	wrdreg s3  }
0xa9: {  	[dreg:$0x3] =	wrdreg s5  }
0xaa: {  	[dreg:$0x4] =	wrdreg $0xC0  }
0xab: {  	_ =	task [dreg:s7], $0x5FFFF  }
0xac: {  	[dreg:$0x1] =	wrdreg $0xFFFFFFFF  }
0xad: {  	[dreg:$0x0] =	wrdreg $0x60  }
0xae: {  	[dreg:$0x2] =	wrdreg s24  }
0xaf: {  	[dreg:$0x3] =	wrdreg s2  }
0xb0: {  	[dreg:$0x4] =	wrdreg $0xC3500  }
0xb1: {  	[dreg:$0x5] =	wrdreg $0x9  }
0xb2: {  	_ =	task.clear_ibuf [dreg:s7], $0x6FFFF;
	_ =	strace $0x90000046  }
0xb3: {  	s29 =	simm.s32 $0x9;
	_ =	strace $0x80000048  }
0xb4: {  	_ =	swait.ge [sflag:s29], $0x1  }
0xb5: {  	[sflag:s29] =	ssyncadd.s32 $0xFFFFFFFF  }
0xb6: {  	_ =	strace $0x90000048  }
0xb7: {  	_ =	sfence  }
0xb8: {  	s30 =	sld [smem:$0x0];
	_ =	sdelay $0x2  }
0xb9: {  	s31 =	sshll.u32 s1, $0xD;
	s1 =	sshrl.u32 s1, $0x2  }
0xba: {  	s3 =	sand.u32 $0x4000, s31;
	s1 =	sadd.s32 s1, s30  }
0xbb: {  	s0 =	sor.u32 s3, s0;
	s1 =	sshll.u32 s1, $0x11  }
0xbc: {  	s0 =	sor.u32 s1, s0  }
0xbd: {  	s0 =	sadd.s32 $0x8F2B, s0  }
0xbe: {  	[sflag:s0] =	ssyncadd.remote.s32 $0x1  }
0xbf: {  	_ =	sfence.sel $0xFFFF  }
0xc0: {  	[dreg:$0x0] =	wrdreg $0xFFFFFFFF;
	(pc) =	sbr.abs _section_cstart, $3  }
0xc1: {  	[dreg:$0x1] =	wrdreg $0xFFFFFFFF  }
0xc2: {  	_ =	task.clear_ibuf [dreg:s7], $0x2FFFF;
	_ =	strace $0x9FFFFFFF  }
0xc3: {  	(tm) =	ssettm $0x7FFFFFFF  }
tec
execute0_lowered:
.L_overlay_start_1:
0x0: {  	(tag) =	ssettag $0x1  }
0x1: {  	s10 =	rddreg [dreg:$0x0]  }
0x2: {  	s12 =	rddreg [dreg:$0x1]  }
0x3: {  	s0 =	stileid.u32;
	s2 =	rddreg [dreg:$0x2]  }
0x4: {  	s1 =	rddreg [dreg:$0x3];
	s3 =	simm.s32 $0x0;
	s13 =	smul.u32 $0x1400, s0  }
0x5: {  	[smem:$0x7FF] =	sst s3  }
0x6: {  	s5 =	sshll.u32 s0, $0x6;
	_ =	strace $0x80000047;
	s4 =	sshrl.u32 s13, $0x3  }
0x7: {  	s5 =	sor.u32 $0x1C01, s5;
	s6 =	sadd.s32 s13, s2;
	s4 =	sadd.s32 s4, s10  }
0x8: {  	s7 =	sshrl.u32 s6, $0x3;
	s6 =	simm.s32 $0x1;
	s4 =	sadd.s32 $0x16E00, s4  }
0x9: {  	[spmem:s7], [sflag:s5] =	dma.local [hbm:s4], $0x280  }
0xa: {  	s9 =	srdreg.scid;
	s8 =	sadd.s32 $0x14600, s10;
	_ =	swait.ge [sflag:s6], $0x280  }
0xb: {  	s14 =	sand.u32 $0x1, s9;
	s29 =	sshll.u32 s0, $0x1;
	[sflag:s6] =	ssyncset.done $0x0  }
0xc: {  	s9 =	simm.s32 $0x2710;
	s11 =	sor.u32 s14, s29;
	[sflag:s6] =	ssyncadd.s32 $0xFFFFFD80  }
0xd: {  	[tilespmem:s9], [sflag:$0x1] =	stream.linear.gather [hbm4b:s8+s3], $0x9C40, $0x38;
	[tilespmem:$0xD750] =	vst v63  }
0xe: {  	s11 =	smul.u32 $0x4E2, s11;
	_ =	swait.ge [sflag:s6], $0x9C40  }
0xf: {  	[sflag:s6] =	ssyncset.done $0x0  }
0x10: {  	s10 =	sadd.s32 s11, s10;
	[sflag:s6] =	ssyncadd.s32 $0xFFFF63C0  }
0x11: {  	s10 =	sadd.s32 $0xA800, s10;
	[bflag:$0x0] =	sbarrier.arrive $0xFFFF  }
0x12: {  	[tilespmem:s3], [sflag:$0x1] =	stream.linear.gather [hbm4b:s10+s3], $0x2710, $0x38;
	[tilespmem:$0xD750] =	vst v63  }
0x13: {  	_ =	swait.ge [sflag:s6], $0x2710  }
0x14: {  	[sflag:s6] =	ssyncset.done $0x0  }
0x15: {  	s11 =	simm.s32 $0x1388;
	[sflag:s6] =	ssyncadd.s32 $0xFFFFD8F0  }
0x16: {  	[spmem:s2] =	stream.indirect.scatter.add.f32 [tilespmem:s9], [sflag:$0x1], $0x8, s3, s11, $0xb8;
	[tilespmem:$0xD750] =	vst v63  }
0x17: {  	s15 =	smul.u32 $0x14000, s14;
	s14 =	ssub.s32 $0x2, s14;
	_ =	swait.ge [sflag:s6], $0x9C40  }
0x18: {  	s30 =	sshrl.u32 s14, $0x1;
	[sflag:s6] =	ssyncset.done $0x0  }
0x19: {  	s14 =	ssub.s32 s14, s30;
	[sflag:s6] =	ssyncadd.s32 $0xFFFF63C0  }
0x1a: {  	[spmem:s2] =	stream.indirect.scatter.add.f32 [tilespmem:s9], [sflag:$0x1], $0x8, s11, s11, $0xb8;
	[tilespmem:$0xD750] =	vst v63  }
0x1b: {  	s31 =	smax.u32 s14, $0x1;
	_ =	swait.ge [sflag:s6], $0x9C40  }
0x1c: {  	s13 =	sadd.s32 s13, s15;
	p0 =	sne.s32 s31, $0x1;
	[sflag:s6] =	ssyncset.done $0x0  }
.Ltmp0:
0x1d: {  	s13 =	sshrl.u32 s13, $0x3;
	[sflag:s6] =	ssyncadd.s32 $0xFFFF63C0;
	(pc) =	sbr.rel @!p0 .LBB2_2-.Ltmp0, $4  }
0x1e: {  	s12 =	sadd.s32 s12, s13;
	[bflag:$0x0] =	sbarrier.arrive $0xFFFF  }
0x1f: {  	[hbm:s12], [sflag:s5] =	dma.local [spmem:s7], $0x280  }
0x20: {  	_ =	swait.ge [sflag:s6], $0x280  }
0x21: {  	s13 =	sadd.s32 $0xFFFFFFFF, s31;
	[sflag:s6] =	ssyncset.done $0x0  }
.LBB2_1:
0x22: {  	p0 =	sne.s32 s13, $0x1;
	s13 =	sadd.s32 $0xFFFFFFFF, s13;
	[sflag:s6] =	ssyncadd.s32 $0xFFFFFD80  }
0x23: {  	[spmem:s7], [sflag:s5] =	dma.local [hbm:s4], $0x280  }
0x24: {  	_ =	swait.ge [sflag:s6], $0x280  }
0x25: {  	[sflag:s6] =	ssyncset.done $0x0  }
0x26: {  	[sflag:s6] =	ssyncadd.s32 $0xFFFFFD80  }
0x27: {  	[tilespmem:s9], [sflag:$0x1] =	stream.linear.gather [hbm4b:s8+s3], $0x9C40, $0x38;
	[tilespmem:$0xD750] =	vst v63  }
0x28: {  	_ =	swait.ge [sflag:s6], $0x9C40  }
0x29: {  	[sflag:s6] =	ssyncset.done $0x0  }
0x2a: {  	[sflag:s6] =	ssyncadd.s32 $0xFFFF63C0  }
0x2b: {  	[bflag:$0x0] =	sbarrier.arrive $0xFFFF  }
0x2c: {  	[tilespmem:s3], [sflag:$0x1] =	stream.linear.gather [hbm4b:s10+s3], $0x2710, $0x38;
	[tilespmem:$0xD750] =	vst v63  }
0x2d: {  	_ =	swait.ge [sflag:s6], $0x2710  }
0x2e: {  	[sflag:s6] =	ssyncset.done $0x0  }
0x2f: {  	[sflag:s6] =	ssyncadd.s32 $0xFFFFD8F0  }
0x30: {  	[spmem:s2] =	stream.indirect.scatter.add.f32 [tilespmem:s9], [sflag:$0x1], $0x8, s3, s11, $0xb8;
	[tilespmem:$0xD750] =	vst v63  }
0x31: {  	_ =	swait.ge [sflag:s6], $0x9C40  }
0x32: {  	[sflag:s6] =	ssyncset.done $0x0  }
0x33: {  	[sflag:s6] =	ssyncadd.s32 $0xFFFF63C0  }
0x34: {  	[spmem:s2] =	stream.indirect.scatter.add.f32 [tilespmem:s9], [sflag:$0x1], $0x8, s11, s11, $0xb8;
	[tilespmem:$0xD750] =	vst v63  }
0x35: {  	_ =	swait.ge [sflag:s6], $0x9C40  }
0x36: {  	[sflag:s6] =	ssyncset.done $0x0  }
.Ltmp1:
0x37: {  	[sflag:s6] =	ssyncadd.s32 $0xFFFF63C0;
	(pc) =	sbr.rel @p0 .LBB2_1-.Ltmp1, $4  }
0x38: {  	[bflag:$0x0] =	sbarrier.arrive $0xFFFF  }
0x39: {  	[hbm:s12], [sflag:s5] =	dma.local [spmem:s7], $0x280  }
0x3a: {  	_ =	swait.ge [sflag:s6], $0x280  }
0x3b: {  	[sflag:s6] =	ssyncset.done $0x0  }
.LBB2_2:
0x3c: {  	[sflag:s6] =	ssyncadd.s32 $0xFFFFFD80  }
0x3d: {  	_ =	sfence.sel $0x180000  }
0x3e: {  	[bflag:$0x0] =	sbarrier.arrive $0xFFFF  }
0x3f: {  	p0 =	sne.s32 s0, $0x0;
	_ =	strace $0x90000047  }
0x40: {  	s0 =	sadd.s32 @!p0 $0x100000, s1;
	[bflag:$0x2] =	sbarrier.arrive $0xFFFF  }
0x41: {  	[sflag:s0] =	ssyncadd.tile.s32 @!p0 $0x1;
	_ =	shalt  }
.Lfunc_end2:
_tile_overlayer_lowered:
.L_overlay_start_2:
0x42: {  	(tag) =	ssettag $0x2  }
0x43: {  	s0 =	rddreg [dreg:$0x0];
	s2 =	stileid.u32  }
0x44: {  	s1 =	rddreg [dreg:$0x1];
	p0 =	sne.s32 s2, $0x0  }
0x45: {  	s3 =	rddreg [dreg:$0x2];
	[bflag:$0x3] =	sbarrier.arrive $0xFFFF;
	s2 =	simm.s32 @!p0 $0x1C01  }
0x46: {  	[timem:s3], [sflag:s2] =	dma.local @!p0 [hbm:s0], s1  }
0x47: {  	s0 =	simm.s32 @!p0 $0x1  }
0x48: {  	_ =	swait.ge @!p0 [sflag:s0], s1  }
0x49: {  	s1 =	ssub.s32 @!p0 $0x0, s1;
	[sflag:s0] =	ssyncset.done @!p0 $0x0  }
0x4a: {  	[sflag:s0] =	ssyncadd.s32 @!p0 s1  }
0x4b: {  	[bflag:$0x3] =	sbarrier.arrive $0xFFFF  }
0x4c: {  	_ =	shalt  }

</sc_bundles>
